<compile_context>
chip_gen: v7x
topology: tpu7x:2x2x1
jax: 0.10.2.dev20260603
libtpu: 0.0.44.dev20260713+nightly
codegen_flags: <defaults>
</compile_context>

<pallas_src>
import functools

import jax
import jax.numpy as jnp
from jax import lax
from jax.experimental import pallas as pl
from jax.experimental.pallas import tpu as pltpu
from jax.experimental.pallas import tpu_sc as plsc

_NC = 1
_NS = 16
_NW = _NC * _NS
_LANES = 16
_MINOR = 128
_ROWQ = 32


def _rows_per_worker(total_bytes: int) -> int:
    per = -(-total_bytes // (_NW * _MINOR))
    return -(-per // _ROWQ) * _ROWQ


@functools.lru_cache(maxsize=None)
def _sc_mask_kernel(rows: int):
    total_rows = rows * _NW
    mesh = plsc.VectorSubcoreMesh(
        core_axis_name="c", subcore_axis_name="s", num_cores=_NC)

    @functools.partial(
        pl.kernel,
        mesh=mesh,
        out_type=jax.ShapeDtypeStruct((total_rows, _MINOR), jnp.uint8),
        scratch_types=[
            pltpu.VMEM((rows, _MINOR), jnp.uint8),
            pltpu.VMEM((rows, _MINOR), jnp.uint8),
            pltpu.SemaphoreType.DMA,
            pltpu.SemaphoreType.DMA,
            pltpu.SemaphoreType.DMA,
        ],
    )
    def body(m_hbm, t_hbm, out_hbm, m_v, t_v, sem_m, sem_t, sem_o):
        wid = lax.axis_index("s") * _NC + lax.axis_index("c")
        base = wid * rows
        half = rows // 2

        def in_copies(h):
            lo = h * half
            cm = pltpu.make_async_copy(
                m_hbm.at[pl.ds(base + lo, half)], m_v.at[pl.ds(lo, half)], sem_m)
            ct = pltpu.make_async_copy(
                t_hbm.at[pl.ds(base + lo, half)], t_v.at[pl.ds(lo, half)], sem_t)
            return cm, ct

        cm0, ct0 = in_copies(0)
        cm1, ct1 = in_copies(1)
        cm0.start()
        ct0.start()
        cm1.start()
        ct1.start()

        mw = m_v.bitcast(jnp.int32)
        tw = t_v.bitcast(jnp.int32)

        def step(r, carry):
            for c in range(_MINOR // _LANES):
                sl = pl.ds(c * _LANES, _LANES)
                mw[r, sl] = mw[r, sl] & ~tw[r, sl]
            return carry

        out_copies = []
        for h in range(2):
            lo = h * half
            cm, ct = (cm0, ct0) if h == 0 else (cm1, ct1)
            cm.wait()
            ct.wait()
            lax.fori_loop(lo // 4, (lo + half) // 4, step, 0)
            co = pltpu.make_async_copy(
                m_v.at[pl.ds(lo, half)], out_hbm.at[pl.ds(base + lo, half)], sem_o)
            co.start()
            out_copies.append(co)
        for co in out_copies:
            co.wait()

    return body


def kernel(s0, s1, s2, mask, track_mask):
    n = mask.shape[0]
    rows = _rows_per_worker(n)
    total = rows * _NW * _MINOR

    m = jnp.pad(mask.view(jnp.uint8), (0, total - n)).reshape(rows * _NW, _MINOR)
    t = jnp.pad(track_mask.view(jnp.uint8), (0, total - n)).reshape(rows * _NW, _MINOR)
    out = _sc_mask_kernel(rows)(m, t)
    return (s0, s1, s2, out.reshape(total)[:n].view(jnp.bool_))

# --- scband reference (transcript-rebuilt; emitter-appended) ---
"""Pipeline reference for scband-mask-tracks-429496730370 (READ-ONLY COPY).

The authoritative reference and input builder live on the scoring server;
editing this copy changes nothing except your own understanding.
"""

import jax, jax.numpy as jnp
import numpy as np

N = 1000000
D = 16
REVERSE_MASK = False

def setup_inputs(seed: int = 0) -> dict:
    key = jax.random.key(seed)
    k0, k1, k2, k3, k4 = jax.random.split(key, 5)
    s0 = jax.random.normal(k0, (N, D), dtype=jnp.float32)
    s1 = jax.random.normal(k1, (N,), dtype=jnp.float32)
    s2 = jax.random.normal(k2, (N,), dtype=jnp.float32)
    mask = jax.random.randint(k3, (N,), 0, 2).astype(jnp.bool_)
    track_mask = jax.random.randint(k4, (N,), 0, 2).astype(jnp.bool_)
    return {"s0": s0, "s1": s1, "s2": s2, "mask": mask, "track_mask": track_mask}

def reference(s0, s1, s2, mask, track_mask):
    # __init__: optionally invert the track mask
    tm = jnp.logical_not(track_mask) if REVERSE_MASK else track_mask
    # forward: mask = sample[3]; mask[self.track_mask] = False
    # boolean-masked scatter-overwrite -> jnp.where (jit-safe equivalent)
    new_mask = jnp.where(tm, jnp.zeros_like(mask), mask)
    # return (*sample[:3], mask)
    return (s0, s1, s2, new_mask)

if __name__ == "__main__":
    import jax
    _d = setup_inputs()
    print(jax.jit(kernel)(*tuple(_d.values())))

</pallas_src>

<mosaic_0001>
#map = affine_map<(d0, d1) -> (0, 0)>
module attributes {stable_mosaic.version = 14 : i64} {
  func.func @body(%arg0: i32, %arg1: i32, %arg2: memref<8192x128xi8, #tpu.memory_space<hbm>>, %arg3: memref<8192x128xi8, #tpu.memory_space<hbm>>, %arg4: memref<8192x128xi8, #tpu.memory_space<hbm>>, %arg5: memref<512x128xi8, #tpu.memory_space<vmem>>, %arg6: memref<512x128xi8, #tpu.memory_space<vmem>>, %arg7: memref<!tpu.dma_semaphore, #tpu.memory_space<semaphore_mem>>, %arg8: memref<!tpu.dma_semaphore, #tpu.memory_space<semaphore_mem>>, %arg9: memref<!tpu.dma_semaphore, #tpu.memory_space<semaphore_mem>>) attributes {dimension_semantics = [#tpu.dimension_semantics<core_parallel>, #tpu.dimension_semantics<subcore_parallel>], iteration_bounds = array<i64: 1, 16>, scalar_prefetch = 0 : i64, scratch_operands = 5 : i64, tpu.core_type = #tpu.core_type<sc_vector_subcore>, window_params = [{transform_indices = #map}, {transform_indices = #map}, {transform_indices = #map}]} {
    %mul3A = arith.constant 1 : i32
    %mul3A_0 = arith.muli %arg1, %mul3A : i32
    %add3A = arith.addi %mul3A_0, %arg0 : i32
    %mul3A_1 = arith.constant 512 : i32
    %mul3A_2 = arith.muli %add3A, %mul3A_1 : i32
    %add3A_3 = arith.constant 0 : i32
    %add3A_4 = arith.addi %mul3A_2, %add3A_3 : i32
    %add3A_5 = arith.constant 0 : i32
    %add3A_6 = arith.addi %mul3A_2, %add3A_5 : i32
    %add3A_7 = arith.constant 256 : i32
    %add3A_8 = arith.addi %mul3A_2, %add3A_7 : i32
    %add3A_9 = arith.constant 256 : i32
    %add3A_10 = arith.addi %mul3A_2, %add3A_9 : i32
    %dma_start3A = arith.constant 0 : i32
    %dma_start3A_11 = arith.constant 0 : i32
    %dma_start3A_12 = tpu.memref_slice %arg5[%dma_start3A, %dma_start3A_11] : memref<512x128xi8, #tpu.memory_space<vmem>> -> memref<256x128xi8, #tpu.memory_space<vmem>>
    %dma_start3A_13 = arith.constant 0 : i32
    %dma_start3A_14 = tpu.memref_slice %arg2[%add3A_4, %dma_start3A_13] : memref<8192x128xi8, #tpu.memory_space<hbm>> -> memref<256x128xi8, #tpu.memory_space<hbm>>
    %dma_start3A_15 = arith.constant 0 : i32
    %dma_start3A_16 = arith.constant 0 : i32
    %dma_start3A_17 = tpu.memref_slice %arg5[%dma_start3A_15, %dma_start3A_16] : memref<512x128xi8, #tpu.memory_space<vmem>> -> memref<256x128xi8, #tpu.memory_space<vmem>>
    %dma_start3A_18 = arith.constant 0 : i32
    %dma_start3A_19 = tpu.memref_slice %arg2[%add3A_4, %dma_start3A_18] : memref<8192x128xi8, #tpu.memory_space<hbm>> -> memref<256x128xi8, #tpu.memory_space<hbm>>
    tpu.enqueue_dma source(%dma_start3A_19 : memref<256x128xi8, #tpu.memory_space<hbm>>) target(%dma_start3A_17 : memref<256x128xi8, #tpu.memory_space<vmem>>) target_semaphore(%arg7 : memref<!tpu.dma_semaphore, #tpu.memory_space<semaphore_mem>>)
    %dma_start3A_20 = arith.constant 0 : i32
    %dma_start3A_21 = arith.constant 0 : i32
    %dma_start3A_22 = tpu.memref_slice %arg6[%dma_start3A_20, %dma_start3A_21] : memref<512x128xi8, #tpu.memory_space<vmem>> -> memref<256x128xi8, #tpu.memory_space<vmem>>
    %dma_start3A_23 = arith.constant 0 : i32
    %dma_start3A_24 = tpu.memref_slice %arg3[%add3A_6, %dma_start3A_23] : memref<8192x128xi8, #tpu.memory_space<hbm>> -> memref<256x128xi8, #tpu.memory_space<hbm>>
    %dma_start3A_25 = arith.constant 0 : i32
    %dma_start3A_26 = arith.constant 0 : i32
    %dma_start3A_27 = tpu.memref_slice %arg6[%dma_start3A_25, %dma_start3A_26] : memref<512x128xi8, #tpu.memory_space<vmem>> -> memref<256x128xi8, #tpu.memory_space<vmem>>
    %dma_start3A_28 = arith.constant 0 : i32
    %dma_start3A_29 = tpu.memref_slice %arg3[%add3A_6, %dma_start3A_28] : memref<8192x128xi8, #tpu.memory_space<hbm>> -> memref<256x128xi8, #tpu.memory_space<hbm>>
    tpu.enqueue_dma source(%dma_start3A_29 : memref<256x128xi8, #tpu.memory_space<hbm>>) target(%dma_start3A_27 : memref<256x128xi8, #tpu.memory_space<vmem>>) target_semaphore(%arg8 : memref<!tpu.dma_semaphore, #tpu.memory_space<semaphore_mem>>)
    %dma_start3A_30 = arith.constant 256 : i32
    %dma_start3A_31 = arith.constant 0 : i32
    %dma_start3A_32 = tpu.memref_slice %arg5[%dma_start3A_30, %dma_start3A_31] : memref<512x128xi8, #tpu.memory_space<vmem>> -> memref<256x128xi8, #tpu.memory_space<vmem>>
    %dma_start3A_33 = arith.constant 0 : i32
    %dma_start3A_34 = tpu.memref_slice %arg2[%add3A_8, %dma_start3A_33] : memref<8192x128xi8, #tpu.memory_space<hbm>> -> memref<256x128xi8, #tpu.memory_space<hbm>>
    %dma_start3A_35 = arith.constant 256 : i32
    %dma_start3A_36 = arith.constant 0 : i32
    %dma_start3A_37 = tpu.memref_slice %arg5[%dma_start3A_35, %dma_start3A_36] : memref<512x128xi8, #tpu.memory_space<vmem>> -> memref<256x128xi8, #tpu.memory_space<vmem>>
    %dma_start3A_38 = arith.constant 0 : i32
    %dma_start3A_39 = tpu.memref_slice %arg2[%add3A_8, %dma_start3A_38] : memref<8192x128xi8, #tpu.memory_space<hbm>> -> memref<256x128xi8, #tpu.memory_space<hbm>>
    tpu.enqueue_dma source(%dma_start3A_39 : memref<256x128xi8, #tpu.memory_space<hbm>>) target(%dma_start3A_37 : memref<256x128xi8, #tpu.memory_space<vmem>>) target_semaphore(%arg7 : memref<!tpu.dma_semaphore, #tpu.memory_space<semaphore_mem>>)
    %dma_start3A_40 = arith.constant 256 : i32
    %dma_start3A_41 = arith.constant 0 : i32
    %dma_start3A_42 = tpu.memref_slice %arg6[%dma_start3A_40, %dma_start3A_41] : memref<512x128xi8, #tpu.memory_space<vmem>> -> memref<256x128xi8, #tpu.memory_space<vmem>>
    %dma_start3A_43 = arith.constant 0 : i32
    %dma_start3A_44 = tpu.memref_slice %arg3[%add3A_10, %dma_start3A_43] : memref<8192x128xi8, #tpu.memory_space<hbm>> -> memref<256x128xi8, #tpu.memory_space<hbm>>
    %dma_start3A_45 = arith.constant 256 : i32
    %dma_start3A_46 = arith.constant 0 : i32
    %dma_start3A_47 = tpu.memref_slice %arg6[%dma_start3A_45, %dma_start3A_46] : memref<512x128xi8, #tpu.memory_space<vmem>> -> memref<256x128xi8, #tpu.memory_space<vmem>>
    %dma_start3A_48 = arith.constant 0 : i32
    %dma_start3A_49 = tpu.memref_slice %arg3[%add3A_10, %dma_start3A_48] : memref<8192x128xi8, #tpu.memory_space<hbm>> -> memref<256x128xi8, #tpu.memory_space<hbm>>
    tpu.enqueue_dma source(%dma_start3A_49 : memref<256x128xi8, #tpu.memory_space<hbm>>) target(%dma_start3A_47 : memref<256x128xi8, #tpu.memory_space<vmem>>) target_semaphore(%arg8 : memref<!tpu.dma_semaphore, #tpu.memory_space<semaphore_mem>>)
    %dma_wait3A = arith.constant 0 : i32
    %dma_wait3A_50 = arith.constant 0 : i32
    %dma_wait3A_51 = tpu.memref_slice %arg5[%dma_wait3A, %dma_wait3A_50] : memref<512x128xi8, #tpu.memory_space<vmem>> -> memref<256x128xi8, #tpu.memory_space<vmem>>
    %dma_wait3A_52 = arith.constant 0 : i32
    %dma_wait3A_53 = tpu.memref_slice %arg2[%add3A_4, %dma_wait3A_52] : memref<8192x128xi8, #tpu.memory_space<hbm>> -> memref<256x128xi8, #tpu.memory_space<hbm>>
    %dma_wait3A_54 = arith.constant 0 : i32
    %dma_wait3A_55 = arith.constant 0 : i32
    %dma_wait3A_56 = tpu.memref_slice %arg5[%dma_wait3A_54, %dma_wait3A_55] : memref<512x128xi8, #tpu.memory_space<vmem>> -> memref<256x128xi8, #tpu.memory_space<vmem>>
    %dma_wait3A_57 = arith.constant 0 : i32
    %dma_wait3A_58 = tpu.memref_slice %arg2[%add3A_4, %dma_wait3A_57] : memref<8192x128xi8, #tpu.memory_space<hbm>> -> memref<256x128xi8, #tpu.memory_space<hbm>>
    tpu.wait_dma2 semaphore(%arg7 : memref<!tpu.dma_semaphore, #tpu.memory_space<semaphore_mem>>) src(%dma_wait3A_58 : memref<256x128xi8, #tpu.memory_space<hbm>>) dst(%dma_wait3A_56 : memref<256x128xi8, #tpu.memory_space<vmem>>)
    %dma_wait3A_59 = arith.constant 0 : i32
    %dma_wait3A_60 = arith.constant 0 : i32
    %dma_wait3A_61 = tpu.memref_slice %arg6[%dma_wait3A_59, %dma_wait3A_60] : memref<512x128xi8, #tpu.memory_space<vmem>> -> memref<256x128xi8, #tpu.memory_space<vmem>>
    %dma_wait3A_62 = arith.constant 0 : i32
    %dma_wait3A_63 = tpu.memref_slice %arg3[%add3A_6, %dma_wait3A_62] : memref<8192x128xi8, #tpu.memory_space<hbm>> -> memref<256x128xi8, #tpu.memory_space<hbm>>
    %dma_wait3A_64 = arith.constant 0 : i32
    %dma_wait3A_65 = arith.constant 0 : i32
    %dma_wait3A_66 = tpu.memref_slice %arg6[%dma_wait3A_64, %dma_wait3A_65] : memref<512x128xi8, #tpu.memory_space<vmem>> -> memref<256x128xi8, #tpu.memory_space<vmem>>
    %dma_wait3A_67 = arith.constant 0 : i32
    %dma_wait3A_68 = tpu.memref_slice %arg3[%add3A_6, %dma_wait3A_67] : memref<8192x128xi8, #tpu.memory_space<hbm>> -> memref<256x128xi8, #tpu.memory_space<hbm>>
    tpu.wait_dma2 semaphore(%arg8 : memref<!tpu.dma_semaphore, #tpu.memory_space<semaphore_mem>>) src(%dma_wait3A_68 : memref<256x128xi8, #tpu.memory_space<hbm>>) dst(%dma_wait3A_66 : memref<256x128xi8, #tpu.memory_space<vmem>>)
    %scan3A = arith.constant 0 : i32
    %scan3A_69 = arith.constant 0 : i32
    %scan3A_70 = arith.constant 64 : i32
    %scan3A_71 = arith.addi %scan3A_69, %scan3A_70 : i32
    %scan3A_72 = arith.constant 1 : i32
    scf.for %scan3A_144 = %scan3A_69 to %scan3A_71 step %scan3A_72  : i32 {
      %get3A = tpu.memref_bitcast %arg5 : memref<512x128xi8, #tpu.memory_space<vmem>> -> memref<128x128xi32, #tpu.memory_space<vmem>>
      %get3A_145 = arith.index_cast %scan3A_144 : i32 to index
      %get3A_146 = arith.constant 0 : index
      %get3A_147 = tpu.vector_load %get3A[%get3A_145, %get3A_146] {strides = array<i32>} : memref<128x128xi32, #tpu.memory_space<vmem>>, vector<1x16xi32>,
      %get3A_148 = vector.shape_cast %get3A_147 : vector<1x16xi32> to vector<16xi32>
      %get3A_149 = tpu.memref_bitcast %arg6 : memref<512x128xi8, #tpu.memory_space<vmem>> -> memref<128x128xi32, #tpu.memory_space<vmem>>
      %get3A_150 = arith.index_cast %scan3A_144 : i32 to index
      %get3A_151 = arith.constant 0 : index
      %get3A_152 = tpu.vector_load %get3A_149[%get3A_150, %get3A_151] {strides = array<i32>} : memref<128x128xi32, #tpu.memory_space<vmem>>, vector<1x16xi32>,
      %get3A_153 = vector.shape_cast %get3A_152 : vector<1x16xi32> to vector<16xi32>
      %not3A = arith.constant dense<-1> : vector<16xi32>
      %not3A_154 = arith.xori %get3A_153, %not3A : vector<16xi32>
      %and3A = arith.andi %get3A_148, %not3A_154 : vector<16xi32>
      %swap3A = tpu.memref_bitcast %arg5 : memref<512x128xi8, #tpu.memory_space<vmem>> -> memref<128x128xi32, #tpu.memory_space<vmem>>
      %swap3A_155 = arith.index_cast %scan3A_144 : i32 to index
      %swap3A_156 = arith.constant 0 : index
      %swap3A_157 = tpu.vector_load %swap3A[%swap3A_155, %swap3A_156] {strides = array<i32>} : memref<128x128xi32, #tpu.memory_space<vmem>>, vector<1x16xi32>,
      %swap3A_158 = vector.shape_cast %swap3A_157 : vector<1x16xi32> to vector<16xi32>
      %swap3A_159 = vector.shape_cast %and3A : vector<16xi32> to vector<1x16xi32>
      tpu.vector_store %swap3A[%swap3A_155, %swap3A_156], %swap3A_159 {strides = array<i32>} : memref<128x128xi32, #tpu.memory_space<vmem>>, vector<1x16xi32>,
      %get3A_160 = tpu.memref_bitcast %arg5 : memref<512x128xi8, #tpu.memory_space<vmem>> -> memref<128x128xi32, #tpu.memory_space<vmem>>
      %get3A_161 = arith.index_cast %scan3A_144 : i32 to index
      %get3A_162 = arith.constant 16 : index
      %get3A_163 = tpu.vector_load %get3A_160[%get3A_161, %get3A_162] {strides = array<i32>} : memref<128x128xi32, #tpu.memory_space<vmem>>, vector<1x16xi32>,
      %get3A_164 = vector.shape_cast %get3A_163 : vector<1x16xi32> to vector<16xi32>
      %get3A_165 = tpu.memref_bitcast %arg6 : memref<512x128xi8, #tpu.memory_space<vmem>> -> memref<128x128xi32, #tpu.memory_space<vmem>>
      %get3A_166 = arith.index_cast %scan3A_144 : i32 to index
      %get3A_167 = arith.constant 16 : index
      %get3A_168 = tpu.vector_load %get3A_165[%get3A_166, %get3A_167] {strides = array<i32>} : memref<128x128xi32, #tpu.memory_space<vmem>>, vector<1x16xi32>,
      %get3A_169 = vector.shape_cast %get3A_168 : vector<1x16xi32> to vector<16xi32>
      %not3A_170 = arith.constant dense<-1> : vector<16xi32>
      %not3A_171 = arith.xori %get3A_169, %not3A_170 : vector<16xi32>
      %and3A_172 = arith.andi %get3A_164, %not3A_171 : vector<16xi32>
      %swap3A_173 = tpu.memref_bitcast %arg5 : memref<512x128xi8, #tpu.memory_space<vmem>> -> memref<128x128xi32, #tpu.memory_space<vmem>>
      %swap3A_174 = arith.index_cast %scan3A_144 : i32 to index
      %swap3A_175 = arith.constant 16 : index
      %swap3A_176 = tpu.vector_load %swap3A_173[%swap3A_174, %swap3A_175] {strides = array<i32>} : memref<128x128xi32, #tpu.memory_space<vmem>>, vector<1x16xi32>,
      %swap3A_177 = vector.shape_cast %swap3A_176 : vector<1x16xi32> to vector<16xi32>
      %swap3A_178 = vector.shape_cast %and3A_172 : vector<16xi32> to vector<1x16xi32>
      tpu.vector_store %swap3A_173[%swap3A_174, %swap3A_175], %swap3A_178 {strides = array<i32>} : memref<128x128xi32, #tpu.memory_space<vmem>>, vector<1x16xi32>,
      %get3A_179 = tpu.memref_bitcast %arg5 : memref<512x128xi8, #tpu.memory_space<vmem>> -> memref<128x128xi32, #tpu.memory_space<vmem>>
      %get3A_180 = arith.index_cast %scan3A_144 : i32 to index
      %get3A_181 = arith.constant 32 : index
      %get3A_182 = tpu.vector_load %get3A_179[%get3A_180, %get3A_181] {strides = array<i32>} : memref<128x128xi32, #tpu.memory_space<vmem>>, vector<1x16xi32>,
      %get3A_183 = vector.shape_cast %get3A_182 : vector<1x16xi32> to vector<16xi32>
      %get3A_184 = tpu.memref_bitcast %arg6 : memref<512x128xi8, #tpu.memory_space<vmem>> -> memref<128x128xi32, #tpu.memory_space<vmem>>
      %get3A_185 = arith.index_cast %scan3A_144 : i32 to index
      %get3A_186 = arith.constant 32 : index
      %get3A_187 = tpu.vector_load %get3A_184[%get3A_185, %get3A_186] {strides = array<i32>} : memref<128x128xi32, #tpu.memory_space<vmem>>, vector<1x16xi32>,
      %get3A_188 = vector.shape_cast %get3A_187 : vector<1x16xi32> to vector<16xi32>
      %not3A_189 = arith.constant dense<-1> : vector<16xi32>
      %not3A_190 = arith.xori %get3A_188, %not3A_189 : vector<16xi32>
      %and3A_191 = arith.andi %get3A_183, %not3A_190 : vector<16xi32>
      %swap3A_192 = tpu.memref_bitcast %arg5 : memref<512x128xi8, #tpu.memory_space<vmem>> -> memref<128x128xi32, #tpu.memory_space<vmem>>
      %swap3A_193 = arith.index_cast %scan3A_144 : i32 to index
      %swap3A_194 = arith.constant 32 : index
      %swap3A_195 = tpu.vector_load %swap3A_192[%swap3A_193, %swap3A_194] {strides = array<i32>} : memref<128x128xi32, #tpu.memory_space<vmem>>, vector<1x16xi32>,
      %swap3A_196 = vector.shape_cast %swap3A_195 : vector<1x16xi32> to vector<16xi32>
      %swap3A_197 = vector.shape_cast %and3A_191 : vector<16xi32> to vector<1x16xi32>
      tpu.vector_store %swap3A_192[%swap3A_193, %swap3A_194], %swap3A_197 {strides = array<i32>} : memref<128x128xi32, #tpu.memory_space<vmem>>, vector<1x16xi32>,
      %get3A_198 = tpu.memref_bitcast %arg5 : memref<512x128xi8, #tpu.memory_space<vmem>> -> memref<128x128xi32, #tpu.memory_space<vmem>>
      %get3A_199 = arith.index_cast %scan3A_144 : i32 to index
      %get3A_200 = arith.constant 48 : index
      %get3A_201 = tpu.vector_load %get3A_198[%get3A_199, %get3A_200] {strides = array<i32>} : memref<128x128xi32, #tpu.memory_space<vmem>>, vector<1x16xi32>,
      %get3A_202 = vector.shape_cast %get3A_201 : vector<1x16xi32> to vector<16xi32>
      %get3A_203 = tpu.memref_bitcast %arg6 : memref<512x128xi8, #tpu.memory_space<vmem>> -> memref<128x128xi32, #tpu.memory_space<vmem>>
      %get3A_204 = arith.index_cast %scan3A_144 : i32 to index
      %get3A_205 = arith.constant 48 : index
      %get3A_206 = tpu.vector_load %get3A_203[%get3A_204, %get3A_205] {strides = array<i32>} : memref<128x128xi32, #tpu.memory_space<vmem>>, vector<1x16xi32>,
      %get3A_207 = vector.shape_cast %get3A_206 : vector<1x16xi32> to vector<16xi32>
      %not3A_208 = arith.constant dense<-1> : vector<16xi32>
      %not3A_209 = arith.xori %get3A_207, %not3A_208 : vector<16xi32>
      %and3A_210 = arith.andi %get3A_202, %not3A_209 : vector<16xi32>
      %swap3A_211 = tpu.memref_bitcast %arg5 : memref<512x128xi8, #tpu.memory_space<vmem>> -> memref<128x128xi32, #tpu.memory_space<vmem>>
      %swap3A_212 = arith.index_cast %scan3A_144 : i32 to index
      %swap3A_213 = arith.constant 48 : index
      %swap3A_214 = tpu.vector_load %swap3A_211[%swap3A_212, %swap3A_213] {strides = array<i32>} : memref<128x128xi32, #tpu.memory_space<vmem>>, vector<1x16xi32>,
      %swap3A_215 = vector.shape_cast %swap3A_214 : vector<1x16xi32> to vector<16xi32>
      %swap3A_216 = vector.shape_cast %and3A_210 : vector<16xi32> to vector<1x16xi32>
      tpu.vector_store %swap3A_211[%swap3A_212, %swap3A_213], %swap3A_216 {strides = array<i32>} : memref<128x128xi32, #tpu.memory_space<vmem>>, vector<1x16xi32>,
      %get3A_217 = tpu.memref_bitcast %arg5 : memref<512x128xi8, #tpu.memory_space<vmem>> -> memref<128x128xi32, #tpu.memory_space<vmem>>
      %get3A_218 = arith.index_cast %scan3A_144 : i32 to index
      %get3A_219 = arith.constant 64 : index
      %get3A_220 = tpu.vector_load %get3A_217[%get3A_218, %get3A_219] {strides = array<i32>} : memref<128x128xi32, #tpu.memory_space<vmem>>, vector<1x16xi32>,
      %get3A_221 = vector.shape_cast %get3A_220 : vector<1x16xi32> to vector<16xi32>
      %get3A_222 = tpu.memref_bitcast %arg6 : memref<512x128xi8, #tpu.memory_space<vmem>> -> memref<128x128xi32, #tpu.memory_space<vmem>>
      %get3A_223 = arith.index_cast %scan3A_144 : i32 to index
      %get3A_224 = arith.constant 64 : index
      %get3A_225 = tpu.vector_load %get3A_222[%get3A_223, %get3A_224] {strides = array<i32>} : memref<128x128xi32, #tpu.memory_space<vmem>>, vector<1x16xi32>,
      %get3A_226 = vector.shape_cast %get3A_225 : vector<1x16xi32> to vector<16xi32>
      %not3A_227 = arith.constant dense<-1> : vector<16xi32>
      %not3A_228 = arith.xori %get3A_226, %not3A_227 : vector<16xi32>
      %and3A_229 = arith.andi %get3A_221, %not3A_228 : vector<16xi32>
      %swap3A_230 = tpu.memref_bitcast %arg5 : memref<512x128xi8, #tpu.memory_space<vmem>> -> memref<128x128xi32, #tpu.memory_space<vmem>>
      %swap3A_231 = arith.index_cast %scan3A_144 : i32 to index
      %swap3A_232 = arith.constant 64 : index
      %swap3A_233 = tpu.vector_load %swap3A_230[%swap3A_231, %swap3A_232] {strides = array<i32>} : memref<128x128xi32, #tpu.memory_space<vmem>>, vector<1x16xi32>,
      %swap3A_234 = vector.shape_cast %swap3A_233 : vector<1x16xi32> to vector<16xi32>
      %swap3A_235 = vector.shape_cast %and3A_229 : vector<16xi32> to vector<1x16xi32>
      tpu.vector_store %swap3A_230[%swap3A_231, %swap3A_232], %swap3A_235 {strides = array<i32>} : memref<128x128xi32, #tpu.memory_space<vmem>>, vector<1x16xi32>,
      %get3A_236 = tpu.memref_bitcast %arg5 : memref<512x128xi8, #tpu.memory_space<vmem>> -> memref<128x128xi32, #tpu.memory_space<vmem>>
      %get3A_237 = arith.index_cast %scan3A_144 : i32 to index
      %get3A_238 = arith.constant 80 : index
      %get3A_239 = tpu.vector_load %get3A_236[%get3A_237, %get3A_238] {strides = array<i32>} : memref<128x128xi32, #tpu.memory_space<vmem>>, vector<1x16xi32>,
      %get3A_240 = vector.shape_cast %get3A_239 : vector<1x16xi32> to vector<16xi32>
      %get3A_241 = tpu.memref_bitcast %arg6 : memref<512x128xi8, #tpu.memory_space<vmem>> -> memref<128x128xi32, #tpu.memory_space<vmem>>
      %get3A_242 = arith.index_cast %scan3A_144 : i32 to index
      %get3A_243 = arith.constant 80 : index
      %get3A_244 = tpu.vector_load %get3A_241[%get3A_242, %get3A_243] {strides = array<i32>} : memref<128x128xi32, #tpu.memory_space<vmem>>, vector<1x16xi32>,
      %get3A_245 = vector.shape_cast %get3A_244 : vector<1x16xi32> to vector<16xi32>
      %not3A_246 = arith.constant dense<-1> : vector<16xi32>
      %not3A_247 = arith.xori %get3A_245, %not3A_246 : vector<16xi32>
      %and3A_248 = arith.andi %get3A_240, %not3A_247 : vector<16xi32>
      %swap3A_249 = tpu.memref_bitcast %arg5 : memref<512x128xi8, #tpu.memory_space<vmem>> -> memref<128x128xi32, #tpu.memory_space<vmem>>
      %swap3A_250 = arith.index_cast %scan3A_144 : i32 to index
      %swap3A_251 = arith.constant 80 : index
      %swap3A_252 = tpu.vector_load %swap3A_249[%swap3A_250, %swap3A_251] {strides = array<i32>} : memref<128x128xi32, #tpu.memory_space<vmem>>, vector<1x16xi32>,
      %swap3A_253 = vector.shape_cast %swap3A_252 : vector<1x16xi32> to vector<16xi32>
      %swap3A_254 = vector.shape_cast %and3A_248 : vector<16xi32> to vector<1x16xi32>
      tpu.vector_store %swap3A_249[%swap3A_250, %swap3A_251], %swap3A_254 {strides = array<i32>} : memref<128x128xi32, #tpu.memory_space<vmem>>, vector<1x16xi32>,
      %get3A_255 = tpu.memref_bitcast %arg5 : memref<512x128xi8, #tpu.memory_space<vmem>> -> memref<128x128xi32, #tpu.memory_space<vmem>>
      %get3A_256 = arith.index_cast %scan3A_144 : i32 to index
      %get3A_257 = arith.constant 96 : index
      %get3A_258 = tpu.vector_load %get3A_255[%get3A_256, %get3A_257] {strides = array<i32>} : memref<128x128xi32, #tpu.memory_space<vmem>>, vector<1x16xi32>,
      %get3A_259 = vector.shape_cast %get3A_258 : vector<1x16xi32> to vector<16xi32>
      %get3A_260 = tpu.memref_bitcast %arg6 : memref<512x128xi8, #tpu.memory_space<vmem>> -> memref<128x128xi32, #tpu.memory_space<vmem>>
      %get3A_261 = arith.index_cast %scan3A_144 : i32 to index
      %get3A_262 = arith.constant 96 : index
      %get3A_263 = tpu.vector_load %get3A_260[%get3A_261, %get3A_262] {strides = array<i32>} : memref<128x128xi32, #tpu.memory_space<vmem>>, vector<1x16xi32>,
      %get3A_264 = vector.shape_cast %get3A_263 : vector<1x16xi32> to vector<16xi32>
      %not3A_265 = arith.constant dense<-1> : vector<16xi32>
      %not3A_266 = arith.xori %get3A_264, %not3A_265 : vector<16xi32>
      %and3A_267 = arith.andi %get3A_259, %not3A_266 : vector<16xi32>
      %swap3A_268 = tpu.memref_bitcast %arg5 : memref<512x128xi8, #tpu.memory_space<vmem>> -> memref<128x128xi32, #tpu.memory_space<vmem>>
      %swap3A_269 = arith.index_cast %scan3A_144 : i32 to index
      %swap3A_270 = arith.constant 96 : index
      %swap3A_271 = tpu.vector_load %swap3A_268[%swap3A_269, %swap3A_270] {strides = array<i32>} : memref<128x128xi32, #tpu.memory_space<vmem>>, vector<1x16xi32>,
      %swap3A_272 = vector.shape_cast %swap3A_271 : vector<1x16xi32> to vector<16xi32>
      %swap3A_273 = vector.shape_cast %and3A_267 : vector<16xi32> to vector<1x16xi32>
      tpu.vector_store %swap3A_268[%swap3A_269, %swap3A_270], %swap3A_273 {strides = array<i32>} : memref<128x128xi32, #tpu.memory_space<vmem>>, vector<1x16xi32>,
      %get3A_274 = tpu.memref_bitcast %arg5 : memref<512x128xi8, #tpu.memory_space<vmem>> -> memref<128x128xi32, #tpu.memory_space<vmem>>
      %get3A_275 = arith.index_cast %scan3A_144 : i32 to index
      %get3A_276 = arith.constant 112 : index
      %get3A_277 = tpu.vector_load %get3A_274[%get3A_275, %get3A_276] {strides = array<i32>} : memref<128x128xi32, #tpu.memory_space<vmem>>, vector<1x16xi32>,
      %get3A_278 = vector.shape_cast %get3A_277 : vector<1x16xi32> to vector<16xi32>
      %get3A_279 = tpu.memref_bitcast %arg6 : memref<512x128xi8, #tpu.memory_space<vmem>> -> memref<128x128xi32, #tpu.memory_space<vmem>>
      %get3A_280 = arith.index_cast %scan3A_144 : i32 to index
      %get3A_281 = arith.constant 112 : index
      %get3A_282 = tpu.vector_load %get3A_279[%get3A_280, %get3A_281] {strides = array<i32>} : memref<128x128xi32, #tpu.memory_space<vmem>>, vector<1x16xi32>,
      %get3A_283 = vector.shape_cast %get3A_282 : vector<1x16xi32> to vector<16xi32>
      %not3A_284 = arith.constant dense<-1> : vector<16xi32>
      %not3A_285 = arith.xori %get3A_283, %not3A_284 : vector<16xi32>
      %and3A_286 = arith.andi %get3A_278, %not3A_285 : vector<16xi32>
      %swap3A_287 = tpu.memref_bitcast %arg5 : memref<512x128xi8, #tpu.memory_space<vmem>> -> memref<128x128xi32, #tpu.memory_space<vmem>>
      %swap3A_288 = arith.index_cast %scan3A_144 : i32 to index
      %swap3A_289 = arith.constant 112 : index
      %swap3A_290 = tpu.vector_load %swap3A_287[%swap3A_288, %swap3A_289] {strides = array<i32>} : memref<128x128xi32, #tpu.memory_space<vmem>>, vector<1x16xi32>,
      %swap3A_291 = vector.shape_cast %swap3A_290 : vector<1x16xi32> to vector<16xi32>
      %swap3A_292 = vector.shape_cast %and3A_286 : vector<16xi32> to vector<1x16xi32>
      tpu.vector_store %swap3A_287[%swap3A_288, %swap3A_289], %swap3A_292 {strides = array<i32>} : memref<128x128xi32, #tpu.memory_space<vmem>>, vector<1x16xi32>,
    }
    %scan3A_73 = arith.constant 64 : i32
    %add3A_74 = arith.constant 0 : i32
    %add3A_75 = arith.addi %mul3A_2, %add3A_74 : i32
    %dma_start3A_76 = arith.constant 0 : i32
    %dma_start3A_77 = arith.constant 0 : i32
    %dma_start3A_78 = tpu.memref_slice %arg5[%dma_start3A_76, %dma_start3A_77] : memref<512x128xi8, #tpu.memory_space<vmem>> -> memref<256x128xi8, #tpu.memory_space<vmem>>
    %dma_start3A_79 = arith.constant 0 : i32
    %dma_start3A_80 = tpu.memref_slice %arg4[%add3A_75, %dma_start3A_79] : memref<8192x128xi8, #tpu.memory_space<hbm>> -> memref<256x128xi8, #tpu.memory_space<hbm>>
    %dma_start3A_81 = arith.constant 0 : i32
    %dma_start3A_82 = tpu.memref_slice %arg4[%add3A_75, %dma_start3A_81] : memref<8192x128xi8, #tpu.memory_space<hbm>> -> memref<256x128xi8, #tpu.memory_space<hbm>>
    %dma_start3A_83 = arith.constant 0 : i32
    %dma_start3A_84 = arith.constant 0 : i32
    %dma_start3A_85 = tpu.memref_slice %arg5[%dma_start3A_83, %dma_start3A_84] : memref<512x128xi8, #tpu.memory_space<vmem>> -> memref<256x128xi8, #tpu.memory_space<vmem>>
    tpu.enqueue_dma source(%dma_start3A_85 : memref<256x128xi8, #tpu.memory_space<vmem>>) target(%dma_start3A_82 : memref<256x128xi8, #tpu.memory_space<hbm>>) target_semaphore(%arg9 : memref<!tpu.dma_semaphore, #tpu.memory_space<semaphore_mem>>)
    %dma_wait3A_86 = arith.constant 256 : i32
    %dma_wait3A_87 = arith.constant 0 : i32
    %dma_wait3A_88 = tpu.memref_slice %arg5[%dma_wait3A_86, %dma_wait3A_87] : memref<512x128xi8, #tpu.memory_space<vmem>> -> memref<256x128xi8, #tpu.memory_space<vmem>>
    %dma_wait3A_89 = arith.constant 0 : i32
    %dma_wait3A_90 = tpu.memref_slice %arg2[%add3A_8, %dma_wait3A_89] : memref<8192x128xi8, #tpu.memory_space<hbm>> -> memref<256x128xi8, #tpu.memory_space<hbm>>
    %dma_wait3A_91 = arith.constant 256 : i32
    %dma_wait3A_92 = arith.constant 0 : i32
    %dma_wait3A_93 = tpu.memref_slice %arg5[%dma_wait3A_91, %dma_wait3A_92] : memref<512x128xi8, #tpu.memory_space<vmem>> -> memref<256x128xi8, #tpu.memory_space<vmem>>
    %dma_wait3A_94 = arith.constant 0 : i32
    %dma_wait3A_95 = tpu.memref_slice %arg2[%add3A_8, %dma_wait3A_94] : memref<8192x128xi8, #tpu.memory_space<hbm>> -> memref<256x128xi8, #tpu.memory_space<hbm>>
    tpu.wait_dma2 semaphore(%arg7 : memref<!tpu.dma_semaphore, #tpu.memory_space<semaphore_mem>>) src(%dma_wait3A_95 : memref<256x128xi8, #tpu.memory_space<hbm>>) dst(%dma_wait3A_93 : memref<256x128xi8, #tpu.memory_space<vmem>>)
    %dma_wait3A_96 = arith.constant 256 : i32
    %dma_wait3A_97 = arith.constant 0 : i32
    %dma_wait3A_98 = tpu.memref_slice %arg6[%dma_wait3A_96, %dma_wait3A_97] : memref<512x128xi8, #tpu.memory_space<vmem>> -> memref<256x128xi8, #tpu.memory_space<vmem>>
    %dma_wait3A_99 = arith.constant 0 : i32
    %dma_wait3A_100 = tpu.memref_slice %arg3[%add3A_10, %dma_wait3A_99] : memref<8192x128xi8, #tpu.memory_space<hbm>> -> memref<256x128xi8, #tpu.memory_space<hbm>>
    %dma_wait3A_101 = arith.constant 256 : i32
    %dma_wait3A_102 = arith.constant 0 : i32
    %dma_wait3A_103 = tpu.memref_slice %arg6[%dma_wait3A_101, %dma_wait3A_102] : memref<512x128xi8, #tpu.memory_space<vmem>> -> memref<256x128xi8, #tpu.memory_space<vmem>>
    %dma_wait3A_104 = arith.constant 0 : i32
    %dma_wait3A_105 = tpu.memref_slice %arg3[%add3A_10, %dma_wait3A_104] : memref<8192x128xi8, #tpu.memory_space<hbm>> -> memref<256x128xi8, #tpu.memory_space<hbm>>
    tpu.wait_dma2 semaphore(%arg8 : memref<!tpu.dma_semaphore, #tpu.memory_space<semaphore_mem>>) src(%dma_wait3A_105 : memref<256x128xi8, #tpu.memory_space<hbm>>) dst(%dma_wait3A_103 : memref<256x128xi8, #tpu.memory_space<vmem>>)
    %scan3A_106 = arith.constant 0 : i32
    %scan3A_107 = arith.constant 64 : i32
    %scan3A_108 = arith.constant 64 : i32
    %scan3A_109 = arith.addi %scan3A_107, %scan3A_108 : i32
    %scan3A_110 = arith.constant 1 : i32
    scf.for %scan3A_144 = %scan3A_107 to %scan3A_109 step %scan3A_110  : i32 {
      %get3A = tpu.memref_bitcast %arg5 : memref<512x128xi8, #tpu.memory_space<vmem>> -> memref<128x128xi32, #tpu.memory_space<vmem>>
      %get3A_145 = arith.index_cast %scan3A_144 : i32 to index
      %get3A_146 = arith.constant 0 : index
      %get3A_147 = tpu.vector_load %get3A[%get3A_145, %get3A_146] {strides = array<i32>} : memref<128x128xi32, #tpu.memory_space<vmem>>, vector<1x16xi32>,
      %get3A_148 = vector.shape_cast %get3A_147 : vector<1x16xi32> to vector<16xi32>
      %get3A_149 = tpu.memref_bitcast %arg6 : memref<512x128xi8, #tpu.memory_space<vmem>> -> memref<128x128xi32, #tpu.memory_space<vmem>>
      %get3A_150 = arith.index_cast %scan3A_144 : i32 to index
      %get3A_151 = arith.constant 0 : index
      %get3A_152 = tpu.vector_load %get3A_149[%get3A_150, %get3A_151] {strides = array<i32>} : memref<128x128xi32, #tpu.memory_space<vmem>>, vector<1x16xi32>,
      %get3A_153 = vector.shape_cast %get3A_152 : vector<1x16xi32> to vector<16xi32>
      %not3A = arith.constant dense<-1> : vector<16xi32>
      %not3A_154 = arith.xori %get3A_153, %not3A : vector<16xi32>
      %and3A = arith.andi %get3A_148, %not3A_154 : vector<16xi32>
      %swap3A = tpu.memref_bitcast %arg5 : memref<512x128xi8, #tpu.memory_space<vmem>> -> memref<128x128xi32, #tpu.memory_space<vmem>>
      %swap3A_155 = arith.index_cast %scan3A_144 : i32 to index
      %swap3A_156 = arith.constant 0 : index
      %swap3A_157 = tpu.vector_load %swap3A[%swap3A_155, %swap3A_156] {strides = array<i32>} : memref<128x128xi32, #tpu.memory_space<vmem>>, vector<1x16xi32>,
      %swap3A_158 = vector.shape_cast %swap3A_157 : vector<1x16xi32> to vector<16xi32>
      %swap3A_159 = vector.shape_cast %and3A : vector<16xi32> to vector<1x16xi32>
      tpu.vector_store %swap3A[%swap3A_155, %swap3A_156], %swap3A_159 {strides = array<i32>} : memref<128x128xi32, #tpu.memory_space<vmem>>, vector<1x16xi32>,
      %get3A_160 = tpu.memref_bitcast %arg5 : memref<512x128xi8, #tpu.memory_space<vmem>> -> memref<128x128xi32, #tpu.memory_space<vmem>>
      %get3A_161 = arith.index_cast %scan3A_144 : i32 to index
      %get3A_162 = arith.constant 16 : index
      %get3A_163 = tpu.vector_load %get3A_160[%get3A_161, %get3A_162] {strides = array<i32>} : memref<128x128xi32, #tpu.memory_space<vmem>>, vector<1x16xi32>,
      %get3A_164 = vector.shape_cast %get3A_163 : vector<1x16xi32> to vector<16xi32>
      %get3A_165 = tpu.memref_bitcast %arg6 : memref<512x128xi8, #tpu.memory_space<vmem>> -> memref<128x128xi32, #tpu.memory_space<vmem>>
      %get3A_166 = arith.index_cast %scan3A_144 : i32 to index
      %get3A_167 = arith.constant 16 : index
      %get3A_168 = tpu.vector_load %get3A_165[%get3A_166, %get3A_167] {strides = array<i32>} : memref<128x128xi32, #tpu.memory_space<vmem>>, vector<1x16xi32>,
      %get3A_169 = vector.shape_cast %get3A_168 : vector<1x16xi32> to vector<16xi32>
      %not3A_170 = arith.constant dense<-1> : vector<16xi32>
      %not3A_171 = arith.xori %get3A_169, %not3A_170 : vector<16xi32>
      %and3A_172 = arith.andi %get3A_164, %not3A_171 : vector<16xi32>
      %swap3A_173 = tpu.memref_bitcast %arg5 : memref<512x128xi8, #tpu.memory_space<vmem>> -> memref<128x128xi32, #tpu.memory_space<vmem>>
      %swap3A_174 = arith.index_cast %scan3A_144 : i32 to index
      %swap3A_175 = arith.constant 16 : index
      %swap3A_176 = tpu.vector_load %swap3A_173[%swap3A_174, %swap3A_175] {strides = array<i32>} : memref<128x128xi32, #tpu.memory_space<vmem>>, vector<1x16xi32>,
      %swap3A_177 = vector.shape_cast %swap3A_176 : vector<1x16xi32> to vector<16xi32>
      %swap3A_178 = vector.shape_cast %and3A_172 : vector<16xi32> to vector<1x16xi32>
      tpu.vector_store %swap3A_173[%swap3A_174, %swap3A_175], %swap3A_178 {strides = array<i32>} : memref<128x128xi32, #tpu.memory_space<vmem>>, vector<1x16xi32>,
      %get3A_179 = tpu.memref_bitcast %arg5 : memref<512x128xi8, #tpu.memory_space<vmem>> -> memref<128x128xi32, #tpu.memory_space<vmem>>
      %get3A_180 = arith.index_cast %scan3A_144 : i32 to index
      %get3A_181 = arith.constant 32 : index
      %get3A_182 = tpu.vector_load %get3A_179[%get3A_180, %get3A_181] {strides = array<i32>} : memref<128x128xi32, #tpu.memory_space<vmem>>, vector<1x16xi32>,
      %get3A_183 = vector.shape_cast %get3A_182 : vector<1x16xi32> to vector<16xi32>
      %get3A_184 = tpu.memref_bitcast %arg6 : memref<512x128xi8, #tpu.memory_space<vmem>> -> memref<128x128xi32, #tpu.memory_space<vmem>>
      %get3A_185 = arith.index_cast %scan3A_144 : i32 to index
      %get3A_186 = arith.constant 32 : index
      %get3A_187 = tpu.vector_load %get3A_184[%get3A_185, %get3A_186] {strides = array<i32>} : memref<128x128xi32, #tpu.memory_space<vmem>>, vector<1x16xi32>,
      %get3A_188 = vector.shape_cast %get3A_187 : vector<1x16xi32> to vector<16xi32>
      %not3A_189 = arith.constant dense<-1> : vector<16xi32>
      %not3A_190 = arith.xori %get3A_188, %not3A_189 : vector<16xi32>
      %and3A_191 = arith.andi %get3A_183, %not3A_190 : vector<16xi32>
      %swap3A_192 = tpu.memref_bitcast %arg5 : memref<512x128xi8, #tpu.memory_space<vmem>> -> memref<128x128xi32, #tpu.memory_space<vmem>>
      %swap3A_193 = arith.index_cast %scan3A_144 : i32 to index
      %swap3A_194 = arith.constant 32 : index
      %swap3A_195 = tpu.vector_load %swap3A_192[%swap3A_193, %swap3A_194] {strides = array<i32>} : memref<128x128xi32, #tpu.memory_space<vmem>>, vector<1x16xi32>,
      %swap3A_196 = vector.shape_cast %swap3A_195 : vector<1x16xi32> to vector<16xi32>
      %swap3A_197 = vector.shape_cast %and3A_191 : vector<16xi32> to vector<1x16xi32>
      tpu.vector_store %swap3A_192[%swap3A_193, %swap3A_194], %swap3A_197 {strides = array<i32>} : memref<128x128xi32, #tpu.memory_space<vmem>>, vector<1x16xi32>,
      %get3A_198 = tpu.memref_bitcast %arg5 : memref<512x128xi8, #tpu.memory_space<vmem>> -> memref<128x128xi32, #tpu.memory_space<vmem>>
      %get3A_199 = arith.index_cast %scan3A_144 : i32 to index
      %get3A_200 = arith.constant 48 : index
      %get3A_201 = tpu.vector_load %get3A_198[%get3A_199, %get3A_200] {strides = array<i32>} : memref<128x128xi32, #tpu.memory_space<vmem>>, vector<1x16xi32>,
      %get3A_202 = vector.shape_cast %get3A_201 : vector<1x16xi32> to vector<16xi32>
      %get3A_203 = tpu.memref_bitcast %arg6 : memref<512x128xi8, #tpu.memory_space<vmem>> -> memref<128x128xi32, #tpu.memory_space<vmem>>
      %get3A_204 = arith.index_cast %scan3A_144 : i32 to index
      %get3A_205 = arith.constant 48 : index
      %get3A_206 = tpu.vector_load %get3A_203[%get3A_204, %get3A_205] {strides = array<i32>} : memref<128x128xi32, #tpu.memory_space<vmem>>, vector<1x16xi32>,
      %get3A_207 = vector.shape_cast %get3A_206 : vector<1x16xi32> to vector<16xi32>
      %not3A_208 = arith.constant dense<-1> : vector<16xi32>
      %not3A_209 = arith.xori %get3A_207, %not3A_208 : vector<16xi32>
      %and3A_210 = arith.andi %get3A_202, %not3A_209 : vector<16xi32>
      %swap3A_211 = tpu.memref_bitcast %arg5 : memref<512x128xi8, #tpu.memory_space<vmem>> -> memref<128x128xi32, #tpu.memory_space<vmem>>
      %swap3A_212 = arith.index_cast %scan3A_144 : i32 to index
      %swap3A_213 = arith.constant 48 : index
      %swap3A_214 = tpu.vector_load %swap3A_211[%swap3A_212, %swap3A_213] {strides = array<i32>} : memref<128x128xi32, #tpu.memory_space<vmem>>, vector<1x16xi32>,
      %swap3A_215 = vector.shape_cast %swap3A_214 : vector<1x16xi32> to vector<16xi32>
      %swap3A_216 = vector.shape_cast %and3A_210 : vector<16xi32> to vector<1x16xi32>
      tpu.vector_store %swap3A_211[%swap3A_212, %swap3A_213], %swap3A_216 {strides = array<i32>} : memref<128x128xi32, #tpu.memory_space<vmem>>, vector<1x16xi32>,
      %get3A_217 = tpu.memref_bitcast %arg5 : memref<512x128xi8, #tpu.memory_space<vmem>> -> memref<128x128xi32, #tpu.memory_space<vmem>>
      %get3A_218 = arith.index_cast %scan3A_144 : i32 to index
      %get3A_219 = arith.constant 64 : index
      %get3A_220 = tpu.vector_load %get3A_217[%get3A_218, %get3A_219] {strides = array<i32>} : memref<128x128xi32, #tpu.memory_space<vmem>>, vector<1x16xi32>,
      %get3A_221 = vector.shape_cast %get3A_220 : vector<1x16xi32> to vector<16xi32>
      %get3A_222 = tpu.memref_bitcast %arg6 : memref<512x128xi8, #tpu.memory_space<vmem>> -> memref<128x128xi32, #tpu.memory_space<vmem>>
      %get3A_223 = arith.index_cast %scan3A_144 : i32 to index
      %get3A_224 = arith.constant 64 : index
      %get3A_225 = tpu.vector_load %get3A_222[%get3A_223, %get3A_224] {strides = array<i32>} : memref<128x128xi32, #tpu.memory_space<vmem>>, vector<1x16xi32>,
      %get3A_226 = vector.shape_cast %get3A_225 : vector<1x16xi32> to vector<16xi32>
      %not3A_227 = arith.constant dense<-1> : vector<16xi32>
      %not3A_228 = arith.xori %get3A_226, %not3A_227 : vector<16xi32>
      %and3A_229 = arith.andi %get3A_221, %not3A_228 : vector<16xi32>
      %swap3A_230 = tpu.memref_bitcast %arg5 : memref<512x128xi8, #tpu.memory_space<vmem>> -> memref<128x128xi32, #tpu.memory_space<vmem>>
      %swap3A_231 = arith.index_cast %scan3A_144 : i32 to index
      %swap3A_232 = arith.constant 64 : index
      %swap3A_233 = tpu.vector_load %swap3A_230[%swap3A_231, %swap3A_232] {strides = array<i32>} : memref<128x128xi32, #tpu.memory_space<vmem>>, vector<1x16xi32>,
      %swap3A_234 = vector.shape_cast %swap3A_233 : vector<1x16xi32> to vector<16xi32>
      %swap3A_235 = vector.shape_cast %and3A_229 : vector<16xi32> to vector<1x16xi32>
      tpu.vector_store %swap3A_230[%swap3A_231, %swap3A_232], %swap3A_235 {strides = array<i32>} : memref<128x128xi32, #tpu.memory_space<vmem>>, vector<1x16xi32>,
      %get3A_236 = tpu.memref_bitcast %arg5 : memref<512x128xi8, #tpu.memory_space<vmem>> -> memref<128x128xi32, #tpu.memory_space<vmem>>
      %get3A_237 = arith.index_cast %scan3A_144 : i32 to index
      %get3A_238 = arith.constant 80 : index
      %get3A_239 = tpu.vector_load %get3A_236[%get3A_237, %get3A_238] {strides = array<i32>} : memref<128x128xi32, #tpu.memory_space<vmem>>, vector<1x16xi32>,
      %get3A_240 = vector.shape_cast %get3A_239 : vector<1x16xi32> to vector<16xi32>
      %get3A_241 = tpu.memref_bitcast %arg6 : memref<512x128xi8, #tpu.memory_space<vmem>> -> memref<128x128xi32, #tpu.memory_space<vmem>>
      %get3A_242 = arith.index_cast %scan3A_144 : i32 to index
      %get3A_243 = arith.constant 80 : index
      %get3A_244 = tpu.vector_load %get3A_241[%get3A_242, %get3A_243] {strides = array<i32>} : memref<128x128xi32, #tpu.memory_space<vmem>>, vector<1x16xi32>,
      %get3A_245 = vector.shape_cast %get3A_244 : vector<1x16xi32> to vector<16xi32>
      %not3A_246 = arith.constant dense<-1> : vector<16xi32>
      %not3A_247 = arith.xori %get3A_245, %not3A_246 : vector<16xi32>
      %and3A_248 = arith.andi %get3A_240, %not3A_247 : vector<16xi32>
      %swap3A_249 = tpu.memref_bitcast %arg5 : memref<512x128xi8, #tpu.memory_space<vmem>> -> memref<128x128xi32, #tpu.memory_space<vmem>>
      %swap3A_250 = arith.index_cast %scan3A_144 : i32 to index
      %swap3A_251 = arith.constant 80 : index
      %swap3A_252 = tpu.vector_load %swap3A_249[%swap3A_250, %swap3A_251] {strides = array<i32>} : memref<128x128xi32, #tpu.memory_space<vmem>>, vector<1x16xi32>,
      %swap3A_253 = vector.shape_cast %swap3A_252 : vector<1x16xi32> to vector<16xi32>
      %swap3A_254 = vector.shape_cast %and3A_248 : vector<16xi32> to vector<1x16xi32>
      tpu.vector_store %swap3A_249[%swap3A_250, %swap3A_251], %swap3A_254 {strides = array<i32>} : memref<128x128xi32, #tpu.memory_space<vmem>>, vector<1x16xi32>,
      %get3A_255 = tpu.memref_bitcast %arg5 : memref<512x128xi8, #tpu.memory_space<vmem>> -> memref<128x128xi32, #tpu.memory_space<vmem>>
      %get3A_256 = arith.index_cast %scan3A_144 : i32 to index
      %get3A_257 = arith.constant 96 : index
      %get3A_258 = tpu.vector_load %get3A_255[%get3A_256, %get3A_257] {strides = array<i32>} : memref<128x128xi32, #tpu.memory_space<vmem>>, vector<1x16xi32>,
      %get3A_259 = vector.shape_cast %get3A_258 : vector<1x16xi32> to vector<16xi32>
      %get3A_260 = tpu.memref_bitcast %arg6 : memref<512x128xi8, #tpu.memory_space<vmem>> -> memref<128x128xi32, #tpu.memory_space<vmem>>
      %get3A_261 = arith.index_cast %scan3A_144 : i32 to index
      %get3A_262 = arith.constant 96 : index
      %get3A_263 = tpu.vector_load %get3A_260[%get3A_261, %get3A_262] {strides = array<i32>} : memref<128x128xi32, #tpu.memory_space<vmem>>, vector<1x16xi32>,
      %get3A_264 = vector.shape_cast %get3A_263 : vector<1x16xi32> to vector<16xi32>
      %not3A_265 = arith.constant dense<-1> : vector<16xi32>
      %not3A_266 = arith.xori %get3A_264, %not3A_265 : vector<16xi32>
      %and3A_267 = arith.andi %get3A_259, %not3A_266 : vector<16xi32>
      %swap3A_268 = tpu.memref_bitcast %arg5 : memref<512x128xi8, #tpu.memory_space<vmem>> -> memref<128x128xi32, #tpu.memory_space<vmem>>
      %swap3A_269 = arith.index_cast %scan3A_144 : i32 to index
      %swap3A_270 = arith.constant 96 : index
      %swap3A_271 = tpu.vector_load %swap3A_268[%swap3A_269, %swap3A_270] {strides = array<i32>} : memref<128x128xi32, #tpu.memory_space<vmem>>, vector<1x16xi32>,
      %swap3A_272 = vector.shape_cast %swap3A_271 : vector<1x16xi32> to vector<16xi32>
      %swap3A_273 = vector.shape_cast %and3A_267 : vector<16xi32> to vector<1x16xi32>
      tpu.vector_store %swap3A_268[%swap3A_269, %swap3A_270], %swap3A_273 {strides = array<i32>} : memref<128x128xi32, #tpu.memory_space<vmem>>, vector<1x16xi32>,
      %get3A_274 = tpu.memref_bitcast %arg5 : memref<512x128xi8, #tpu.memory_space<vmem>> -> memref<128x128xi32, #tpu.memory_space<vmem>>
      %get3A_275 = arith.index_cast %scan3A_144 : i32 to index
      %get3A_276 = arith.constant 112 : index
      %get3A_277 = tpu.vector_load %get3A_274[%get3A_275, %get3A_276] {strides = array<i32>} : memref<128x128xi32, #tpu.memory_space<vmem>>, vector<1x16xi32>,
      %get3A_278 = vector.shape_cast %get3A_277 : vector<1x16xi32> to vector<16xi32>
      %get3A_279 = tpu.memref_bitcast %arg6 : memref<512x128xi8, #tpu.memory_space<vmem>> -> memref<128x128xi32, #tpu.memory_space<vmem>>
      %get3A_280 = arith.index_cast %scan3A_144 : i32 to index
      %get3A_281 = arith.constant 112 : index
      %get3A_282 = tpu.vector_load %get3A_279[%get3A_280, %get3A_281] {strides = array<i32>} : memref<128x128xi32, #tpu.memory_space<vmem>>, vector<1x16xi32>,
      %get3A_283 = vector.shape_cast %get3A_282 : vector<1x16xi32> to vector<16xi32>
      %not3A_284 = arith.constant dense<-1> : vector<16xi32>
      %not3A_285 = arith.xori %get3A_283, %not3A_284 : vector<16xi32>
      %and3A_286 = arith.andi %get3A_278, %not3A_285 : vector<16xi32>
      %swap3A_287 = tpu.memref_bitcast %arg5 : memref<512x128xi8, #tpu.memory_space<vmem>> -> memref<128x128xi32, #tpu.memory_space<vmem>>
      %swap3A_288 = arith.index_cast %scan3A_144 : i32 to index
      %swap3A_289 = arith.constant 112 : index
      %swap3A_290 = tpu.vector_load %swap3A_287[%swap3A_288, %swap3A_289] {strides = array<i32>} : memref<128x128xi32, #tpu.memory_space<vmem>>, vector<1x16xi32>,
      %swap3A_291 = vector.shape_cast %swap3A_290 : vector<1x16xi32> to vector<16xi32>
      %swap3A_292 = vector.shape_cast %and3A_286 : vector<16xi32> to vector<1x16xi32>
      tpu.vector_store %swap3A_287[%swap3A_288, %swap3A_289], %swap3A_292 {strides = array<i32>} : memref<128x128xi32, #tpu.memory_space<vmem>>, vector<1x16xi32>,
    }
    %scan3A_111 = arith.constant 64 : i32
    %add3A_112 = arith.constant 256 : i32
    %add3A_113 = arith.addi %mul3A_2, %add3A_112 : i32
    %dma_start3A_114 = arith.constant 256 : i32
    %dma_start3A_115 = arith.constant 0 : i32
    %dma_start3A_116 = tpu.memref_slice %arg5[%dma_start3A_114, %dma_start3A_115] : memref<512x128xi8, #tpu.memory_space<vmem>> -> memref<256x128xi8, #tpu.memory_space<vmem>>
    %dma_start3A_117 = arith.constant 0 : i32
    %dma_start3A_118 = tpu.memref_slice %arg4[%add3A_113, %dma_start3A_117] : memref<8192x128xi8, #tpu.memory_space<hbm>> -> memref<256x128xi8, #tpu.memory_space<hbm>>
    %dma_start3A_119 = arith.constant 0 : i32
    %dma_start3A_120 = tpu.memref_slice %arg4[%add3A_113, %dma_start3A_119] : memref<8192x128xi8, #tpu.memory_space<hbm>> -> memref<256x128xi8, #tpu.memory_space<hbm>>
    %dma_start3A_121 = arith.constant 256 : i32
    %dma_start3A_122 = arith.constant 0 : i32
    %dma_start3A_123 = tpu.memref_slice %arg5[%dma_start3A_121, %dma_start3A_122] : memref<512x128xi8, #tpu.memory_space<vmem>> -> memref<256x128xi8, #tpu.memory_space<vmem>>
    tpu.enqueue_dma source(%dma_start3A_123 : memref<256x128xi8, #tpu.memory_space<vmem>>) target(%dma_start3A_120 : memref<256x128xi8, #tpu.memory_space<hbm>>) target_semaphore(%arg9 : memref<!tpu.dma_semaphore, #tpu.memory_space<semaphore_mem>>)
    %dma_wait3A_124 = arith.constant 0 : i32
    %dma_wait3A_125 = arith.constant 0 : i32
    %dma_wait3A_126 = tpu.memref_slice %arg5[%dma_wait3A_124, %dma_wait3A_125] : memref<512x128xi8, #tpu.memory_space<vmem>> -> memref<256x128xi8, #tpu.memory_space<vmem>>
    %dma_wait3A_127 = arith.constant 0 : i32
    %dma_wait3A_128 = tpu.memref_slice %arg4[%add3A_75, %dma_wait3A_127] : memref<8192x128xi8, #tpu.memory_space<hbm>> -> memref<256x128xi8, #tpu.memory_space<hbm>>
    %dma_wait3A_129 = arith.constant 0 : i32
    %dma_wait3A_130 = tpu.memref_slice %arg4[%add3A_75, %dma_wait3A_129] : memref<8192x128xi8, #tpu.memory_space<hbm>> -> memref<256x128xi8, #tpu.memory_space<hbm>>
    %dma_wait3A_131 = arith.constant 0 : i32
    %dma_wait3A_132 = arith.constant 0 : i32
    %dma_wait3A_133 = tpu.memref_slice %arg5[%dma_wait3A_131, %dma_wait3A_132] : memref<512x128xi8, #tpu.memory_space<vmem>> -> memref<256x128xi8, #tpu.memory_space<vmem>>
    tpu.wait_dma2 semaphore(%arg9 : memref<!tpu.dma_semaphore, #tpu.memory_space<semaphore_mem>>) src(%dma_wait3A_133 : memref<256x128xi8, #tpu.memory_space<vmem>>) dst(%dma_wait3A_130 : memref<256x128xi8, #tpu.memory_space<hbm>>)
    %dma_wait3A_134 = arith.constant 256 : i32
    %dma_wait3A_135 = arith.constant 0 : i32
    %dma_wait3A_136 = tpu.memref_slice %arg5[%dma_wait3A_134, %dma_wait3A_135] : memref<512x128xi8, #tpu.memory_space<vmem>> -> memref<256x128xi8, #tpu.memory_space<vmem>>
    %dma_wait3A_137 = arith.constant 0 : i32
    %dma_wait3A_138 = tpu.memref_slice %arg4[%add3A_113, %dma_wait3A_137] : memref<8192x128xi8, #tpu.memory_space<hbm>> -> memref<256x128xi8, #tpu.memory_space<hbm>>
    %dma_wait3A_139 = arith.constant 0 : i32
    %dma_wait3A_140 = tpu.memref_slice %arg4[%add3A_113, %dma_wait3A_139] : memref<8192x128xi8, #tpu.memory_space<hbm>> -> memref<256x128xi8, #tpu.memory_space<hbm>>
    %dma_wait3A_141 = arith.constant 256 : i32
    %dma_wait3A_142 = arith.constant 0 : i32
    %dma_wait3A_143 = tpu.memref_slice %arg5[%dma_wait3A_141, %dma_wait3A_142] : memref<512x128xi8, #tpu.memory_space<vmem>> -> memref<256x128xi8, #tpu.memory_space<vmem>>
    tpu.wait_dma2 semaphore(%arg9 : memref<!tpu.dma_semaphore, #tpu.memory_space<semaphore_mem>>) src(%dma_wait3A_143 : memref<256x128xi8, #tpu.memory_space<vmem>>) dst(%dma_wait3A_140 : memref<256x128xi8, #tpu.memory_space<hbm>>)
    return
  }
}

</mosaic_0001>

<sc_bundles>
// kernel: kernel.3.cloned.1.call-start
scs
__scs_entry_jumppad:
0x0: {  	(pc) =	sbr.rel $0x88, $3  }
0x1: {  	(tag) =	ssettag $0x0;
	lr =	simm.s32 $0x1  }
0x2: {  	[smem:$0x3F9C] =	sst lr;
	_ =	strace $0xD0000000  }
0x3: {  	_ = 	snop  }
0x4: {  	_ = 	snop  }
0x5: {  	_ = 	snop  }
0x6: {  	_ = 	snop  }
0x7: {  	_ = 	snop  }
__scs_overlays_trampoline_lowered:
0x8: {  	[smem:$0x3FAB] =	sst s0  }
0x9: {  	[smem:$0x3FAC] =	sst s1  }
0xa: {  	[smem:$0x3FAD] =	sst s2  }
0xb: {  	[smem:$0x3FAE] =	sst s3  }
0xc: {  	[smem:$0x3FAF] =	sst s4  }
0xd: {  	[smem:$0x3FB0] =	sst s5  }
0xe: {  	[smem:$0x3FB1] =	sst s6  }
0xf: {  	[smem:$0x3FB2] =	sst s7  }
0x10: {  	[smem:$0x3FB3] =	sst s8  }
0x11: {  	[smem:$0x3FB4] =	sst s9;
	s0 =	simm.s32 @!p0 $0x0  }
0x12: {  	s1 =	sld [smem:$0x3F9A];
	s0 =	simm.s32 @p0 $0x1  }
0x13: {  	[smem:$0x3FB5] =	sst s0;
	s0 =	simm.s32 @!p1 $0x0  }
0x14: {  	s2 =	sld [smem:$0x3F99];
	s0 =	simm.s32 @p1 $0x1  }
0x15: {  	[smem:$0x3FB6] =	sst s0;
	s0 =	simm.s32 @!p2 $0x0  }
0x16: {  	s3 =	sld [smem:$0x3FDB];
	s0 =	simm.s32 @p2 $0x1  }
0x17: {  	s4 =	simm.s32 $0x1BF5;
	[smem:$0x3FB8] =	sst s0  }
0x18: {  	s0 =	sld [smem:$0x3F9B];
	_ =	swait.ge [sflag:s4], $0x0  }
0x19: {  	s7 =	sld [smem:$0x3F9C]  }
0x1a: {  	s8 =	sadd.s32 $0xFFFFE003, lr  }
0x1b: {  	s9 =	sadd.s32 $0xFFFFFEF7, lr;
	s5 =	simm.s32 $0xFFFFFFFF;
	p2 =	slt.u32 s8, $0xFFFFF086  }
0x1c: {  	p1 =	slt.u32 s9, $0xF7A;
	s5 =	simm.s32 @!p2 $0x0  }
0x1d: {  	s5 =	simm.s32 @p1 $0x1;
	p0 =	seq.s32 s7, s2  }
0x1e: {  	s7 =	smul.u32 @!p0 $0xF7A, s2;
	p2 =	seq.s32 @!p0 s5, $0x0  }
0x1f: {  	s9 =	smul.u32 $0xF7A, s1;
	s8 =	simm.s32 @!p0 $0x1BF5;
	p2 =	por !p2, p0  }
0x20: {  	[sflag:s8] =	ssyncset.s32 @!p0 $0xFFFFF086;
	s6 =	sadd.s32 @!p0 s3, s7;
	s7 =	simm.s32 @!p0 $0x108  }
0x21: {  	s3 =	sadd.s32 s3, s9;
	s6 =	sadd.s32 @!p0 $0x88, s6;
	s7 =	simm.s32 @p2 $0x1082  }
0x22: {  	[simem:s7], [sflag:s8] =	dma.local @!p0 [hbm:s6], $0xF7A  }
0x23: {  	s9 =	sor.u32 $0xD0000000, s2;
	s6 =	simm.s32 $0x108;
	_ =	swait.ge @!p0 [sflag:s8], $0x0  }
0x24: {  	s3 =	sadd.s32 $0x88, s3;
	s6 =	simm.s32 @!p1 $0x1082;
	[sflag:s4] =	ssyncset.s32 $0xFFFFF086  }
0x25: {  	[simem:s6], [sflag:s4] =	dma.local [hbm:s3], $0xF7A  }
0x26: {  	[smem:$0x3F9C] =	sst s1;
	(tag) =	ssettag s2;
	_ =	strace s9  }
0x27: {  	s1 =	sld [smem:$0x3FAC]  }
0x28: {  	s2 =	sld [smem:$0x3FAD]  }
0x29: {  	s4 =	sld [smem:$0x3FAF]  }
0x2a: {  	p0 =	seq.s32 s5, $0x0;
	s5 =	sld [smem:$0x3FB0]  }
0x2b: {  	s6 =	sld [smem:$0x3FB1]  }
0x2c: {  	s7 =	sld [smem:$0x3FB2]  }
0x2d: {  	s3 =	simm.s32 $0x108;
	s8 =	sld [smem:$0x3FB3]  }
0x2e: {  	s3 =	simm.s32 @!p0 $0x1082;
	s9 =	sld [smem:$0x3FB4]  }
0x2f: {  	lr =	sadd.s32 s0, s3;
	s0 =	sld [smem:$0x3FAB]  }
0x30: {  	s3 =	sld [smem:$0x3FAE]  }
0x31: {  	[smem:$0x3FB7] =	sst s10  }
0x32: {  	s10 =	sld [smem:$0x3FB5];
	_ =	sdelay $0x3  }
0x33: {  	p0 =	seq.s32 s10, $0x1;
	s10 =	sld [smem:$0x3FB7];
	_ =	sdelay $0x3  }
0x34: {  	[smem:$0x3FB7] =	sst s10  }
0x35: {  	s10 =	sld [smem:$0x3FB6];
	_ =	sdelay $0x3  }
0x36: {  	p1 =	seq.s32 s10, $0x1;
	s10 =	sld [smem:$0x3FB7];
	_ =	sdelay $0x3  }
0x37: {  	[smem:$0x3FB7] =	sst s10  }
0x38: {  	s10 =	sld [smem:$0x3FB8]  }
0x39: {  	_ = 	snop;
	(pc) =	sbr.ind lr, $3  }
0x3a: {  	_ = 	snop  }
0x3b: {  	_ = 	snop  }
0x3c: {  	p2 =	seq.s32 s10, $0x1;
	s10 =	sld [smem:$0x3FB7]  }
0x3d: {  	_ =	shalt  }
0x3e: {  	_ =	shalt  }
0x3f: {  	_ =	shalt  }
0x40: {  	_ =	shalt  }
0x41: {  	_ =	shalt  }
0x42: {  	_ =	shalt  }
0x43: {  	_ =	shalt  }
0x44: {  	_ =	shalt  }
0x45: {  	_ =	shalt  }
0x46: {  	_ =	shalt  }
0x47: {  	_ =	shalt  }
0x48: {  	_ =	shalt  }
0x49: {  	_ =	shalt  }
0x4a: {  	_ =	shalt  }
0x4b: {  	_ =	shalt  }
0x4c: {  	_ =	shalt  }
0x4d: {  	_ =	shalt  }
0x4e: {  	_ =	shalt  }
0x4f: {  	_ =	shalt  }
0x50: {  	_ =	shalt  }
0x51: {  	_ =	shalt  }
0x52: {  	_ =	shalt  }
0x53: {  	_ =	shalt  }
0x54: {  	_ =	shalt  }
0x55: {  	_ =	shalt  }
0x56: {  	_ =	shalt  }
0x57: {  	_ =	shalt  }
0x58: {  	_ =	shalt  }
0x59: {  	_ =	shalt  }
0x5a: {  	_ =	shalt  }
0x5b: {  	_ =	shalt  }
0x5c: {  	_ =	shalt  }
0x5d: {  	_ =	shalt  }
0x5e: {  	_ =	shalt  }
0x5f: {  	_ =	shalt  }
0x60: {  	_ =	shalt  }
0x61: {  	_ =	shalt  }
0x62: {  	_ =	shalt  }
0x63: {  	_ =	shalt  }
0x64: {  	_ =	shalt  }
0x65: {  	_ =	shalt  }
0x66: {  	_ =	shalt  }
0x67: {  	_ =	shalt  }
0x68: {  	_ =	shalt  }
0x69: {  	_ =	shalt  }
0x6a: {  	_ =	shalt  }
0x6b: {  	_ =	shalt  }
0x6c: {  	_ =	shalt  }
0x6d: {  	_ =	shalt  }
0x6e: {  	_ =	shalt  }
0x6f: {  	_ =	shalt  }
0x70: {  	_ =	shalt  }
0x71: {  	_ =	shalt  }
0x72: {  	_ =	shalt  }
0x73: {  	_ =	shalt  }
0x74: {  	_ =	shalt  }
0x75: {  	_ =	shalt  }
0x76: {  	_ =	shalt  }
0x77: {  	_ =	shalt  }
0x78: {  	_ =	shalt  }
0x79: {  	_ =	shalt  }
0x7a: {  	_ =	shalt  }
0x7b: {  	_ =	shalt  }
0x7c: {  	_ =	shalt  }
0x7d: {  	_ =	shalt  }
0x7e: {  	_ =	shalt  }
0x7f: {  	_ =	shalt  }
0x80: {  	_ =	shalt  }
0x81: {  	_ =	shalt  }
0x82: {  	_ =	shalt  }
0x83: {  	_ =	shalt  }
0x84: {  	_ =	shalt  }
0x85: {  	_ =	shalt  }
0x86: {  	_ =	shalt  }
0x87: {  	_ =	shalt  }
.Lfunc_end0:
.L_simem_size_0:
called_computation_lowered:
.L_overlay_start_0:
0x88: {  	s0 =	sld [smem:$0x3FD9]  }
0x89: {  	s1 =	sld [smem:$0x3FFE];
	_ =	sdelay $0x3  }
0x8a: {  	s0 =	sadd.s32 s1, s0  }
0x8b: {  	[smem:$0x3FC3] =	sst s0  }
0x8c: {  	_ = 	snop  }
0x8d: {  	s0 =	sld [smem:$0x3FD0];
	_ =	sdelay $0x2  }
0x8e: {  	s14 =	simm.s32 $0xA;
	s2 =	simm.s32 $0x10  }
0x8f: {  	[smem:s2], [sflag:s14] =	dma.local [hbm:s0], $0x1  }
0x90: {  	_ =	swait.eq [sflag:s14], $0x1  }
0x91: {  	s15 =	sld [smem:$0x10];
	[sflag:s14] =	ssyncset.done $0x0  }
0x92: {  	s16 =	sld [smem:$0x11];
	[sflag:s14] =	ssyncadd.s32 $0xFFFFFFFF  }
0x93: {  	s17 =	sld [smem:$0x12];
	(tm) =	ssettm $0x1  }
0x94: {  	s3 =	sld [smem:$0x3FFB];
	_ =	sdelay $0x3  }
0x95: {  	_ =	strace s3  }
0x96: {  	s3 =	sld [smem:$0x3FFC];
	_ =	sdelay $0x3  }
0x97: {  	_ =	strace s3  }
0x98: {  	s3 =	sld [smem:$0x3FFD];
	_ =	sdelay $0x3  }
0x99: {  	_ =	strace s3  }
0x9a: {  	_ =	strace $0x8FFFFFFF  }
0x9b: {  	s18 =	sld [smem:$0x3FDB];
	_ =	sdelay $0x1  }
0x9c: {  	s4 =	simm.s32 $_scs_section_size  }
0x9d: {  	s5 =	simm.s32 $_size__tile_overlayer_lowered;
	s6 =	simm.s32 $_tile_overlayer_lowered  }
0x9e: {  	s21 =	simm.s32 $0x1BFF;
	s20 =	sshll.u32 s6, $0x1;
	s3 =	sadd.s32 s4, s18  }
0x9f: {  	s7 =	simm.s32 $0x0;
	s19 =	sshll.u32 s5, $0x1;
	s5 =	sadd.s32 s20, s3  }
0xa0: {  	[timem:s7], [sflag:s21] =	dma.local [hbm:s5], s19  }
0xa1: {  	_ =	swait.ge [sflag:s21], s19  }
0xa2: {  	s4 =	ssub.s32 $0x0, s19;
	[sflag:s21] =	ssyncset.done $0x0  }
0xa3: {  	[sflag:s21] =	ssyncadd.s32 s4;
	_ =	sdelay $0x1  }
0xa4: {  	s22 =	simm.s32 $0x1B8B  }
0xa5: {  	_ =	swait.ge [sflag:s22], $0x1  }
0xa6: {  	[sflag:s22] =	ssyncset.done $0x0  }
0xa7: {  	s23 =	simm.s32 $0x1B8E;
	[sflag:s22] =	ssyncadd.s32 $0xFFFFFFFF  }
0xa8: {  	s24 =	simm.s32 $execute0_lowered;
	[smem:$0x3FD2] =	sst s23  }
0xa9: {  	s4 =	sshll.u32 s24, $0x1;
	_ =	strace $0x80000046;
	[dreg:$0x1] =	wrdreg $0xFFFFFFFF  }
0xaa: {  	s25 =	simm.s32 $_size_execute0_lowered;
	s3 =	sadd.s32 s3, s4;
	[dreg:$0x0] =	wrdreg $0x0  }
0xab: {  	s4 =	sshll.u32 s25, $0x1;
	[dreg:$0x2] =	wrdreg s3  }
0xac: {  	[dreg:$0x3] =	wrdreg s4  }
0xad: {  	[dreg:$0x4] =	wrdreg $0xC0  }
0xae: {  	_ =	task [dreg:s7], $0x5FFFF  }
0xaf: {  	[dreg:$0x1] =	wrdreg $0xFFFFFFFF  }
0xb0: {  	[dreg:$0x0] =	wrdreg $0x60  }
0xb1: {  	[dreg:$0x2] =	wrdreg s17  }
0xb2: {  	[dreg:$0x3] =	wrdreg s16  }
0xb3: {  	[dreg:$0x4] =	wrdreg s15  }
0xb4: {  	[dreg:$0x5] =	wrdreg $0x9  }
0xb5: {  	_ =	task.clear_ibuf [dreg:s7], $0x6FFFF;
	_ =	strace $0x90000046  }
0xb6: {  	s26 =	simm.s32 $0x9;
	_ =	strace $0x80000048  }
0xb7: {  	_ =	swait.ge [sflag:s26], $0x1  }
0xb8: {  	[sflag:s26] =	ssyncadd.s32 $0xFFFFFFFF  }
0xb9: {  	_ =	strace $0x90000048  }
0xba: {  	_ =	sfence  }
0xbb: {  	s28 =	sld [smem:$0x0];
	_ =	sdelay $0x1  }
0xbc: {  	s29 =	srdreg.scid  }
0xbd: {  	s30 =	sshll.u32 s29, $0xD;
	s31 =	sshrl.u32 s29, $0x2  }
0xbe: {  	s1 =	sand.u32 $0x1, s29;
	s2 =	sand.u32 $0x4000, s30;
	s0 =	sadd.s32 s31, s28  }
0xbf: {  	s1 =	sor.u32 s2, s1;
	s0 =	sshll.u32 s0, $0x11  }
0xc0: {  	s0 =	sor.u32 s0, s1  }
0xc1: {  	s0 =	sadd.s32 $0x8F2B, s0  }
0xc2: {  	[sflag:s0] =	ssyncadd.remote.s32 $0x1  }
0xc3: {  	_ =	sfence.sel $0xFFFF  }
0xc4: {  	[dreg:$0x0] =	wrdreg $0xFFFFFFFF;
	(pc) =	sbr.abs _section_cstart, $3  }
0xc5: {  	[dreg:$0x1] =	wrdreg $0xFFFFFFFF  }
0xc6: {  	_ =	task.clear_ibuf [dreg:s7], $0x2FFFF;
	_ =	strace $0x9FFFFFFF  }
0xc7: {  	(tm) =	ssettm $0x7FFFFFFF  }
tec
execute0_lowered:
.L_overlay_start_1:
0x0: {  	(tag) =	ssettag $0x1  }
0x1: {  	s5 =	rddreg [dreg:$0x0]  }
0x2: {  	s6 =	rddreg [dreg:$0x1]  }
0x3: {  	s2 =	rddreg [dreg:$0x2];
	s7 =	simm.s32 $0x0;
	s1 =	stileid.u32  }
0x4: {  	[smem:$0x7FF] =	sst s7;
	s4 =	sshll.u32 s1, $0xB  }
0x5: {  	s0 =	rddreg [dreg:$0x3];
	_ =	strace $0x80000047;
	s3 =	sadd.s32 s5, s4  }
0x6: {  	[tilespmem:s7], [sflag:$0x1] =	stream.linear.gather [hbm4b:s3+s7], $0x2000, $0x38;
	[tilespmem:$0x8000] =	vst v63  }
0x7: {  	s9 =	simm.s32 $0x4000;
	s8 =	sadd.s32 s6, s4;
	s3 =	sor.u32 $0x400, s4  }
0x8: {  	[tilespmem:s9], [sflag:$0x2] =	stream.linear.gather [hbm4b:s8+s7], $0x2000, $0x38;
	[tilespmem:$0x8000] =	vst v63  }
0x9: {  	s26 =	simm.s32 $0x2000;
	s5 =	sadd.s32 s5, s3  }
0xa: {  	[tilespmem:s26], [sflag:$0x1] =	stream.linear.gather [hbm4b:s5+s7], $0x2000, $0x38;
	[tilespmem:$0x8000] =	vst v63  }
0xb: {  	s29 =	simm.s32 $0x6000;
	s30 =	simm.s32 $0x1;
	s28 =	sadd.s32 s6, s3  }
0xc: {  	[tilespmem:s29], [sflag:$0x2] =	stream.linear.gather [hbm4b:s28+s7], $0x2000, $0x38;
	[tilespmem:$0x8000] =	vst v63  }
0xd: {  	_ =	swait.ge [sflag:s30], $0x2000  }
0xe: {  	[sflag:s30] =	ssyncset.done $0x0  }
0xf: {  	s31 =	simm.s32 $0x2;
	[sflag:s30] =	ssyncadd.s32 $0xFFFFE000  }
0x10: {  	_ =	swait.ge [sflag:s31], $0x2000  }
0x11: {  	[sflag:s31] =	ssyncset.done $0x0  }
0x12: {  	s5 =	simm.s32 $0x0;
	[sflag:s31] =	ssyncadd.s32 $0xFFFFE000  }
0x13: {  	v6 =	vld [tilespmem:s5+$0x4000]  }
0x14: {  	v8 =	vld [tilespmem:s5+$0x4010]  }
0x15: {  	v5 =	vld [tilespmem:s5+$0x4020]  }
0x16: {  	v4 =	vld [tilespmem:s5+$0x4030]  }
0x17: {  	v3 =	vld [tilespmem:s5+$0x4040]  }
0x18: {  	v2 =	vld [tilespmem:s5+$0x4050]  }
0x19: {  	v1 =	vld [tilespmem:s5+$0x4060]  }
0x1a: {  	v0 =	vld [tilespmem:s5+$0x4070]  }
0x1b: {  	v11 =	vld [tilespmem:s5+$0x0]  }
0x1c: {  	v12 =	vld [tilespmem:s5+$0x10]  }
0x1d: {  	v10 =	vld [tilespmem:s5+$0x20]  }
0x1e: {  	v9 =	vld [tilespmem:s5+$0x30]  }
0x1f: {  	v7 =	vld [tilespmem:s5+$0x40]  }
0x20: {  	v11 =	vandn.u32 v11, v6;
	v6 =	vld [tilespmem:s5+$0x50]  }
0x21: {  	s6 =	simm.s32 $0x200;
	[tilespmem:s5+$0x0] =	vst v11;
	v11 =	vandn.u32 v12, v8;
	v8 =	vld [tilespmem:s5+$0x60]  }
.LBB2_1:
0x22: {  	s7 =	sshra.s32 s6, $0x2;
	p0 =	sne.s32 s6, $0x7E00;
	[tilespmem:s5+$0x10] =	vst v11;
	v5 =	vandn.u32 v10, v5;
	v10 =	vld [tilespmem:s5+$0x70]  }
0x23: {  	v11 =	vld [tilespmem:s7+$0x4000];
	[tilespmem:s5+$0x20] =	vst v5;
	v4 =	vandn.u32 v9, v4  }
0x24: {  	v12 =	vld [tilespmem:s7+$0x4010];
	[tilespmem:s5+$0x30] =	vst v4;
	v3 =	vandn.u32 v7, v3  }
0x25: {  	v5 =	vld [tilespmem:s7+$0x4020];
	[tilespmem:s5+$0x40] =	vst v3;
	v2 =	vandn.u32 v6, v2  }
0x26: {  	v4 =	vld [tilespmem:s7+$0x4030];
	[tilespmem:s5+$0x50] =	vst v2;
	v1 =	vandn.u32 v8, v1  }
0x27: {  	v3 =	vld [tilespmem:s7+$0x4040];
	[tilespmem:s5+$0x60] =	vst v1;
	v0 =	vandn.u32 v10, v0  }
0x28: {  	v2 =	vld [tilespmem:s7+$0x4050];
	[tilespmem:s5+$0x70] =	vst v0;
	s5 =	smov.u32 s7  }
0x29: {  	v1 =	vld [tilespmem:s5+$0x4060]  }
0x2a: {  	v0 =	vld [tilespmem:s5+$0x4070]  }
0x2b: {  	v6 =	vld [tilespmem:s5+$0x0]  }
0x2c: {  	v8 =	vld [tilespmem:s5+$0x10]  }
.Ltmp0:
0x2d: {  	v10 =	vld [tilespmem:s5+$0x20];
	(pc) =	sbr.rel @p0 .LBB2_1-.Ltmp0, $4  }
0x2e: {  	v9 =	vld [tilespmem:s5+$0x30]  }
0x2f: {  	v7 =	vld [tilespmem:s5+$0x40]  }
0x30: {  	v11 =	vandn.u32 v6, v11;
	v6 =	vld [tilespmem:s5+$0x50]  }
0x31: {  	s6 =	sadd.s32 $0x200, s6;
	[tilespmem:s5+$0x0] =	vst v11;
	v11 =	vandn.u32 v8, v12;
	v8 =	vld [tilespmem:s5+$0x60]  }
0x32: {  	[tilespmem:s5+$0x10] =	vst v11;
	v5 =	vandn.u32 v10, v5;
	v10 =	vld [tilespmem:s5+$0x70]  }
0x33: {  	[tilespmem:s5+$0x20] =	vst v5;
	v4 =	vandn.u32 v9, v4  }
0x34: {  	[tilespmem:s5+$0x30] =	vst v4;
	v3 =	vandn.u32 v7, v3  }
0x35: {  	[tilespmem:s5+$0x40] =	vst v3;
	v2 =	vandn.u32 v6, v2  }
0x36: {  	[tilespmem:s5+$0x50] =	vst v2;
	v1 =	vandn.u32 v8, v1  }
0x37: {  	[tilespmem:s5+$0x60] =	vst v1;
	v0 =	vandn.u32 v10, v0  }
0x38: {  	s4 =	sadd.s32 s2, s4;
	s29 =	simm.s32 $0x0;
	s30 =	simm.s32 $0x1;
	[tilespmem:s5+$0x70] =	vst v0  }
0x39: {  	[hbm4b:s4+s29] =	stream.linear.scatter [tilespmem:s29], [sflag:$0x3], $0x2000, $0x38;
	[tilespmem:$0x8000] =	vst v63  }
0x3a: {  	_ =	swait.ge [sflag:s30], $0x2000  }
0x3b: {  	[sflag:s30] =	ssyncset.done $0x0  }
0x3c: {  	s31 =	simm.s32 $0x2;
	[sflag:s30] =	ssyncadd.s32 $0xFFFFE000  }
0x3d: {  	_ =	swait.ge [sflag:s31], $0x2000  }
0x3e: {  	[sflag:s31] =	ssyncset.done $0x0  }
0x3f: {  	s4 =	simm.s32 $0x0;
	[sflag:s31] =	ssyncadd.s32 $0xFFFFE000  }
0x40: {  	v6 =	vld [tilespmem:s4+$0x6000]  }
0x41: {  	v8 =	vld [tilespmem:s4+$0x6010]  }
0x42: {  	v5 =	vld [tilespmem:s4+$0x6020]  }
0x43: {  	v4 =	vld [tilespmem:s4+$0x6030]  }
0x44: {  	v3 =	vld [tilespmem:s4+$0x6040]  }
0x45: {  	v2 =	vld [tilespmem:s4+$0x6050]  }
0x46: {  	v1 =	vld [tilespmem:s4+$0x6060]  }
0x47: {  	v0 =	vld [tilespmem:s4+$0x6070]  }
0x48: {  	v11 =	vld [tilespmem:s4+$0x2000]  }
0x49: {  	v12 =	vld [tilespmem:s4+$0x2010]  }
0x4a: {  	v10 =	vld [tilespmem:s4+$0x2020]  }
0x4b: {  	v9 =	vld [tilespmem:s4+$0x2030]  }
0x4c: {  	v7 =	vld [tilespmem:s4+$0x2040]  }
0x4d: {  	v11 =	vandn.u32 v11, v6;
	v6 =	vld [tilespmem:s4+$0x2050]  }
0x4e: {  	s5 =	simm.s32 $0x200;
	[tilespmem:s4+$0x2000] =	vst v11;
	v11 =	vandn.u32 v12, v8;
	v8 =	vld [tilespmem:s4+$0x2060]  }
.LBB2_3:
0x4f: {  	s6 =	sshra.s32 s5, $0x2;
	p0 =	sne.s32 s5, $0x7E00;
	[tilespmem:s4+$0x2010] =	vst v11;
	v5 =	vandn.u32 v10, v5;
	v10 =	vld [tilespmem:s4+$0x2070]  }
0x50: {  	v11 =	vld [tilespmem:s6+$0x6000];
	[tilespmem:s4+$0x2020] =	vst v5;
	v4 =	vandn.u32 v9, v4  }
0x51: {  	v12 =	vld [tilespmem:s6+$0x6010];
	[tilespmem:s4+$0x2030] =	vst v4;
	v3 =	vandn.u32 v7, v3  }
0x52: {  	v5 =	vld [tilespmem:s6+$0x6020];
	[tilespmem:s4+$0x2040] =	vst v3;
	v2 =	vandn.u32 v6, v2  }
0x53: {  	v4 =	vld [tilespmem:s6+$0x6030];
	[tilespmem:s4+$0x2050] =	vst v2;
	v1 =	vandn.u32 v8, v1  }
0x54: {  	v3 =	vld [tilespmem:s6+$0x6040];
	[tilespmem:s4+$0x2060] =	vst v1;
	v0 =	vandn.u32 v10, v0  }
0x55: {  	v2 =	vld [tilespmem:s6+$0x6050];
	[tilespmem:s4+$0x2070] =	vst v0;
	s4 =	smov.u32 s6  }
0x56: {  	v1 =	vld [tilespmem:s4+$0x6060]  }
0x57: {  	v0 =	vld [tilespmem:s4+$0x6070]  }
0x58: {  	v6 =	vld [tilespmem:s4+$0x2000]  }
0x59: {  	v8 =	vld [tilespmem:s4+$0x2010]  }
.Ltmp1:
0x5a: {  	v10 =	vld [tilespmem:s4+$0x2020];
	(pc) =	sbr.rel @p0 .LBB2_3-.Ltmp1, $4  }
0x5b: {  	v9 =	vld [tilespmem:s4+$0x2030]  }
0x5c: {  	v7 =	vld [tilespmem:s4+$0x2040]  }
0x5d: {  	v11 =	vandn.u32 v6, v11;
	v6 =	vld [tilespmem:s4+$0x2050]  }
0x5e: {  	s5 =	sadd.s32 $0x200, s5;
	[tilespmem:s4+$0x2000] =	vst v11;
	v11 =	vandn.u32 v8, v12;
	v8 =	vld [tilespmem:s4+$0x2060]  }
0x5f: {  	[tilespmem:s4+$0x2010] =	vst v11;
	v5 =	vandn.u32 v10, v5;
	v63 =	vld [tilespmem:s4+$0x2070]  }
0x60: {  	[tilespmem:s4+$0x2020] =	vst v5;
	v4 =	vandn.u32 v9, v4  }
0x61: {  	[tilespmem:s4+$0x2030] =	vst v4;
	v3 =	vandn.u32 v7, v3  }
0x62: {  	[tilespmem:s4+$0x2040] =	vst v3;
	v2 =	vandn.u32 v6, v2  }
0x63: {  	[tilespmem:s4+$0x2050] =	vst v2;
	v1 =	vandn.u32 v8, v1  }
0x64: {  	s2 =	sadd.s32 s2, s3;
	[tilespmem:s4+$0x2060] =	vst v1;
	v0 =	vandn.u32 v63, v0  }
0x65: {  	s29 =	simm.s32 $0x0;
	s30 =	simm.s32 $0x2000;
	s31 =	simm.s32 $0x3;
	[tilespmem:s4+$0x2070] =	vst v0  }
0x66: {  	[hbm4b:s2+s29] =	stream.linear.scatter [tilespmem:s30], [sflag:$0x3], $0x2000, $0x38;
	[tilespmem:$0x8000] =	vst v63  }
0x67: {  	_ =	swait.ge [sflag:s31], $0x2000  }
0x68: {  	[sflag:s31] =	ssyncset.done $0x0  }
0x69: {  	[sflag:s31] =	ssyncadd.s32 $0xFFFFE000  }
0x6a: {  	_ =	swait.ge [sflag:s31], $0x2000  }
0x6b: {  	[sflag:s31] =	ssyncset.done $0x0  }
0x6c: {  	[sflag:s31] =	ssyncadd.s32 $0xFFFFE000  }
0x6d: {  	_ =	sfence.sel $0x180000  }
0x6e: {  	[bflag:$0x0] =	sbarrier.arrive $0xFFFF  }
0x6f: {  	p0 =	sne.s32 s1, $0x0;
	_ =	strace $0x90000047  }
0x70: {  	s0 =	sadd.s32 @!p0 $0x100000, s0;
	[bflag:$0x2] =	sbarrier.arrive $0xFFFF  }
0x71: {  	[sflag:s0] =	ssyncadd.tile.s32 @!p0 $0x1;
	_ =	shalt  }
.Lfunc_end2:
_tile_overlayer_lowered:
.L_overlay_start_2:
0x72: {  	(tag) =	ssettag $0x2  }
0x73: {  	s0 =	rddreg [dreg:$0x0];
	s2 =	stileid.u32  }
0x74: {  	s1 =	rddreg [dreg:$0x1];
	p0 =	sne.s32 s2, $0x0  }
0x75: {  	s3 =	rddreg [dreg:$0x2];
	[bflag:$0x3] =	sbarrier.arrive $0xFFFF;
	s2 =	simm.s32 @!p0 $0x1C04  }
0x76: {  	[timem:s3], [sflag:s2] =	dma.local @!p0 [hbm:s0], s1  }
0x77: {  	s0 =	simm.s32 @!p0 $0x4  }
0x78: {  	_ =	swait.ge @!p0 [sflag:s0], s1  }
0x79: {  	s1 =	ssub.s32 @!p0 $0x0, s1;
	[sflag:s0] =	ssyncset.done @!p0 $0x0  }
0x7a: {  	[sflag:s0] =	ssyncadd.s32 @!p0 s1  }
0x7b: {  	[bflag:$0x3] =	sbarrier.arrive $0xFFFF  }
0x7c: {  	_ =	shalt  }

</sc_bundles>
